<compile_context>
chip_gen: v7x
topology: tpu7x:2x2x1
jax: 0.10.2.dev20260603
libtpu: 0.0.44.dev20260713+nightly
codegen_flags: <defaults>
</compile_context>

<pallas_src>
import functools

import jax
import jax.numpy as jnp
from jax import lax
from jax.experimental import pallas as pl
from jax.experimental.pallas import tpu as pltpu
from jax.experimental.pallas import tpu_sc as plsc

B, S, H = 16, 4096, 1024
D = 64
W = 2 * D
WP = 144


def _k3_body(g_ref, yt_ref, pt_ref, start_ref, left_ref, right_ref, wct_ref,
             out_ref):
    yt = yt_ref[...]
    g = g_ref[...]
    cols2 = lax.broadcasted_iota(jnp.int32, (B, B * WP), 1)
    row2 = lax.broadcasted_iota(jnp.int32, (B, B * WP), 0)
    w_in = cols2 - row2 * WP
    inblk = (w_in >= 0) & (w_in < WP)
    idx2 = start_ref[...] + w_in
    valid2 = inblk & (idx2 >= left_ref[...]) & (idx2 < right_ref[...])
    bias = jnp.where(valid2, 0.0, -1e30)
    pt = pt_ref[...]
    gauss = jnp.exp(-((idx2.astype(jnp.float32) - pt) ** 2) / (D * D / 2.0))
    gv = gauss * valid2.astype(jnp.float32)
    sf = lax.dot_general(yt, g, (((1,), (1,)), ((), ())),
                         preferred_element_type=jnp.float32)
    s = sf + bias
    m = jnp.max(s, axis=1, keepdims=True)
    e = jnp.exp(s - m)
    z = jnp.sum(e, axis=1, keepdims=True)
    at = (e / z) * gv
    ct = lax.dot_general(at, g, (((1,), (0,)), ((), ())),
                         preferred_element_type=jnp.float32)
    out_ref[...] = lax.dot_general(ct, wct_ref[...], (((1,), (0,)), ((), ())),
                                   preferred_element_type=jnp.float32)


def _make_sc_gather():
    info = plsc.get_sparse_core_info()
    nw = info.num_cores * info.num_subcores
    rows_total = B * WP
    b_per_w = rows_total // nw
    per_b = WP // b_per_w
    mesh = plsc.VectorSubcoreMesh(core_axis_name="c", subcore_axis_name="s")

    @functools.partial(
        pl.kernel, mesh=mesh,
        out_type=jax.ShapeDtypeStruct((rows_total, H), jnp.float32),
        scratch_types=[
            pltpu.VMEM((8,), jnp.int32),
        ],
    )
    def gather_k(enc_hbm, fs_hbm, out_hbm, fs_v):
        wid = lax.axis_index("s") * info.num_cores + lax.axis_index("c")
        base = pl.multiple_of(wid * b_per_w, 8)
        b = wid // per_b
        part = wid % per_b
        pltpu.sync_copy(fs_hbm.at[pl.ds(b * 8, 8)], fs_v)
        src = pl.multiple_of(fs_v[pl.ds(0, 1)][0] + part * b_per_w, 8)
        pltpu.sync_copy(enc_hbm.at[pl.ds(src, b_per_w)],
                        out_hbm.at[pl.ds(base, b_per_w), :])

    return gather_k


def kernel(encode_h, yt, encode_len, W_tan, w_pt, W_ct2ht):
    enc2d = encode_h.reshape(B * S, H)

    lens = encode_len.astype(jnp.float32)
    pt = jax.nn.sigmoid(jnp.tanh(yt @ W_tan) @ w_pt)[:, 0] * lens
    pti = jnp.floor(pt).astype(jnp.int32)
    left = jnp.maximum(0, pti - D)
    right = jnp.minimum(encode_len, pti + D)

    start = jnp.minimum((left // 8) * 8, S - WP)
    flat_start = start + jnp.arange(B, dtype=jnp.int32) * S

    gathered = _make_sc_gather()(enc2d, jnp.repeat(flat_start, 8))

    ht = pl.pallas_call(
        _k3_body,
        out_shape=jax.ShapeDtypeStruct((B, H), jnp.float32),
    )(gathered, yt, pt[:, None], start[:, None], left[:, None],
      right[:, None], W_ct2ht)
    return ht

# --- scband reference (transcript-rebuilt; emitter-appended) ---
"""Pipeline reference for scband-nmt-17652315587342 (READ-ONLY COPY).

The authoritative reference and input builder live on the scoring server;
editing this copy changes nothing except your own understanding.
"""

import jax, jax.numpy as jnp
import numpy as np

B, S, H = 16, 4096, 1024
D = 64  # window_size_d


def setup_inputs(seed: int = 0) -> dict:
    key = jax.random.key(seed)
    k1, k2, k3, k4, k5, k6 = jax.random.split(key, 6)
    encode_h = jax.random.normal(k1, (B, S, H), dtype=jnp.float32)
    yt = jax.random.normal(k2, (B, H), dtype=jnp.float32)
    encode_len = jax.random.randint(k3, (B,), S // 2, S + 1, dtype=jnp.int32)
    W_tan = jax.random.normal(k4, (H, H), dtype=jnp.float32) / np.sqrt(H)
    w_pt = jax.random.normal(k5, (H, 1), dtype=jnp.float32) / np.sqrt(H)
    W_ct2ht = jax.random.normal(k6, (H, H), dtype=jnp.float32) / np.sqrt(H)
    return {
        "encode_h": encode_h,
        "yt": yt,
        "encode_len": encode_len,
        "W_tan": W_tan,
        "w_pt": w_pt,
        "W_ct2ht": W_ct2ht,
    }


def reference(encode_h, yt, encode_len, W_tan, w_pt, W_ct2ht):
    # Luong local-p windowed (sparse) attention step, vectorized over batch.
    lens = encode_len.astype(jnp.float32)
    # predictive alignment position pt = len * sigmoid(w_pt^T tanh(W_tan h_t))
    pt = jax.nn.sigmoid(jnp.tanh(yt @ W_tan) @ w_pt)[:, 0] * lens  # [B]
    pti = jnp.floor(pt).astype(jnp.int32)
    left = jnp.maximum(0, pti - D)                                  # [B]
    right = jnp.minimum(encode_len, pti + D)                        # [B]
    idx = left[:, None] + jnp.arange(2 * D, dtype=jnp.int32)[None, :]  # [B, 2D]
    valid = idx < right[:, None]
    idx_c = jnp.clip(idx, 0, S - 1)
    # sparse gather of the local window from the big encoder state
    gathered = jnp.take_along_axis(encode_h, idx_c[:, :, None], axis=1)  # [B, 2D, H]
    scores = jnp.einsum("bwh,bh->bw", gathered, yt)                      # [B, 2D]
    scores = jnp.where(valid, scores, -1e30)
    align = jax.nn.softmax(scores, axis=-1)
    # gaussian proximity weighting exp(-(j-pt)^2 / (D^2/2))
    ex_p = jnp.exp(-((idx.astype(jnp.float32) - pt[:, None]) ** 2) / (D * D / 2.0))
    at = align * ex_p * valid.astype(jnp.float32)
    ct = jnp.einsum("bw,bwh->bh", at, gathered)                          # [B, H]
    ht = ct @ W_ct2ht
    return ht

if __name__ == "__main__":
    import jax
    _d = setup_inputs()
    print(jax.jit(kernel)(*tuple(_d.values())))

</pallas_src>

<mosaic_0001>
#map = affine_map<(d0, d1) -> (0, 0)>
#map1 = affine_map<(d0, d1) -> (0)>
module attributes {stable_mosaic.version = 14 : i64} {
  func.func @gather_k(%arg0: i32, %arg1: i32, %arg2: memref<65536x1024xf32, #tpu.memory_space<hbm>>, %arg3: memref<128xi32, #tpu.memory_space<hbm>>, %arg4: memref<2304x1024xf32, #tpu.memory_space<hbm>>, %arg5: memref<8xi32, #tpu.memory_space<vmem>>) attributes {dimension_semantics = [#tpu.dimension_semantics<core_parallel>, #tpu.dimension_semantics<subcore_parallel>], iteration_bounds = array<i64: 2, 16>, scalar_prefetch = 0 : i64, scratch_operands = 1 : i64, tpu.core_type = #tpu.core_type<sc_vector_subcore>, window_params = [{transform_indices = #map}, {transform_indices = #map1}, {transform_indices = #map}]} {
    %mul3A = arith.constant 2 : i32
    %mul3A_0 = arith.muli %arg1, %mul3A : i32
    %add3A = arith.addi %mul3A_0, %arg0 : i32
    %mul3A_1 = arith.constant 72 : i32
    %mul3A_2 = arith.muli %add3A, %mul3A_1 : i32
    %multiple_of3A = tpu.assume_multiple %mul3A_2, 8 : i32
    %jit3A = arith.constant 2 : i32
    %div3A = arith.divsi %add3A, %jit3A : i32
    %sign3A = arith.constant 0 : i32
    %sign3A_3 = arith.cmpi sgt, %add3A, %sign3A : i32
    %sign3A_4 = arith.extui %sign3A_3 : i1 to i32
    %sign3A_5 = arith.constant 0 : i32
    %sign3A_6 = arith.cmpi slt, %add3A, %sign3A_5 : i32
    %sign3A_7 = arith.extui %sign3A_6 : i1 to i32
    %sign3A_8 = arith.subi %sign3A_4, %sign3A_7 : i32
    %sign3A_9 = arith.constant 0 : i32
    %sign3A_10 = arith.cmpi sgt, %jit3A, %sign3A_9 : i32
    %sign3A_11 = arith.extui %sign3A_10 : i1 to i32
    %sign3A_12 = arith.constant 0 : i32
    %sign3A_13 = arith.cmpi slt, %jit3A, %sign3A_12 : i32
    %sign3A_14 = arith.extui %sign3A_13 : i1 to i32
    %sign3A_15 = arith.subi %sign3A_11, %sign3A_14 : i32
    %ne3A = arith.cmpi ne, %sign3A_8, %sign3A_15 : i32
    %rem3A = arith.remsi %add3A, %jit3A : i32
    %ne3A_16 = arith.constant 0 : i32
    %ne3A_17 = arith.cmpi ne, %rem3A, %ne3A_16 : i32
    %and3A = arith.andi %ne3A, %ne3A_17 : i1
    %sub3A = arith.constant 1 : i32
    %sub3A_18 = arith.subi %div3A, %sub3A : i32
    %select_n3A = arith.select %and3A, %sub3A_18, %div3A : i32
    %jit3A_19 = arith.constant 2 : i32
    %eq3A = arith.constant 0 : i32
    %eq3A_20 = arith.cmpi eq, %jit3A_19, %eq3A : i32
    %jit3A_21 = arith.constant 1 : i32
    %select_n3A_22 = arith.select %eq3A_20, %jit3A_21, %jit3A_19 : i32
    %rem3A_23 = arith.remsi %add3A, %select_n3A_22 : i32
    %ne3A_24 = arith.constant 0 : i32
    %ne3A_25 = arith.cmpi ne, %rem3A_23, %ne3A_24 : i32
    %lt3A = arith.constant 0 : i32
    %lt3A_26 = arith.cmpi slt, %rem3A_23, %lt3A : i32
    %lt3A_27 = arith.constant 0 : i32
    %lt3A_28 = arith.cmpi slt, %select_n3A_22, %lt3A_27 : i32
    %ne3A_29 = arith.xori %lt3A_26, %lt3A_28 : i1
    %and3A_30 = arith.andi %ne3A_29, %ne3A_25 : i1
    %add3A_31 = arith.addi %rem3A_23, %select_n3A_22 : i32
    %select_n3A_32 = arith.select %and3A_30, %add3A_31, %rem3A_23 : i32
    %mul3A_33 = arith.constant 8 : i32
    %mul3A_34 = arith.muli %select_n3A, %mul3A_33 : i32
    "tpu.region"() ({
      %run_scoped3A = tpu.sem_alloc : memref<!tpu.dma_semaphore, #tpu.memory_space<semaphore_mem>>
      %dma_start3A = tpu.memref_slice %arg3[%mul3A_34] : memref<128xi32, #tpu.memory_space<hbm>> -> memref<8xi32, #tpu.memory_space<hbm>>
      %dma_start3A_41 = tpu.memref_slice %arg3[%mul3A_34] : memref<128xi32, #tpu.memory_space<hbm>> -> memref<8xi32, #tpu.memory_space<hbm>>
      tpu.enqueue_dma source(%dma_start3A_41 : memref<8xi32, #tpu.memory_space<hbm>>) target(%arg5 : memref<8xi32, #tpu.memory_space<vmem>>) target_semaphore(%run_scoped3A : memref<!tpu.dma_semaphore, #tpu.memory_space<semaphore_mem>>)
      %dma_wait3A = tpu.memref_slice %arg3[%mul3A_34] : memref<128xi32, #tpu.memory_space<hbm>> -> memref<8xi32, #tpu.memory_space<hbm>>
      %dma_wait3A_42 = tpu.memref_slice %arg3[%mul3A_34] : memref<128xi32, #tpu.memory_space<hbm>> -> memref<8xi32, #tpu.memory_space<hbm>>
      tpu.wait_dma2 semaphore(%run_scoped3A : memref<!tpu.dma_semaphore, #tpu.memory_space<semaphore_mem>>) src(%dma_wait3A_42 : memref<8xi32, #tpu.memory_space<hbm>>) dst(%arg5 : memref<8xi32, #tpu.memory_space<vmem>>)
      tpu.yield
    }) : () -> ()
    %get3A = arith.constant 0 : index
    %get3A_35 = tpu.vector_load %arg5[%get3A] {strides = array<i32>} : memref<8xi32, #tpu.memory_space<vmem>>, vector<1xi32>,
    %get3A_36 = vector.shape_cast %get3A_35 : vector<1xi32> to vector<1xi32>
    %squeeze3A = vector.extract %get3A_36[0] : i32 from vector<1xi32>
    %mul3A_37 = arith.constant 72 : i32
    %mul3A_38 = arith.muli %select_n3A_32, %mul3A_37 : i32
    %add3A_39 = arith.addi %squeeze3A, %mul3A_38 : i32
    %multiple_of3A_40 = tpu.assume_multiple %add3A_39, 8 : i32
    "tpu.region"() ({
      %run_scoped3A = tpu.sem_alloc : memref<!tpu.dma_semaphore, #tpu.memory_space<semaphore_mem>>
      %dma_start3A = arith.constant 0 : i32
      %dma_start3A_41 = tpu.memref_slice %arg4[%multiple_of3A, %dma_start3A] : memref<2304x1024xf32, #tpu.memory_space<hbm>> -> memref<72x1024xf32, #tpu.memory_space<hbm>>
      %dma_start3A_42 = arith.constant 0 : i32
      %dma_start3A_43 = tpu.memref_slice %arg2[%multiple_of3A_40, %dma_start3A_42] : memref<65536x1024xf32, #tpu.memory_space<hbm>> -> memref<72x1024xf32, #tpu.memory_space<hbm>>
      tpu.enqueue_dma source(%dma_start3A_43 : memref<72x1024xf32, #tpu.memory_space<hbm>>) target(%dma_start3A_41 : memref<72x1024xf32, #tpu.memory_space<hbm>>) target_semaphore(%run_scoped3A : memref<!tpu.dma_semaphore, #tpu.memory_space<semaphore_mem>>)
      %dma_wait3A = arith.constant 0 : i32
      %dma_wait3A_44 = tpu.memref_slice %arg4[%multiple_of3A, %dma_wait3A] : memref<2304x1024xf32, #tpu.memory_space<hbm>> -> memref<72x1024xf32, #tpu.memory_space<hbm>>
      %dma_wait3A_45 = arith.constant 0 : i32
      %dma_wait3A_46 = tpu.memref_slice %arg2[%multiple_of3A_40, %dma_wait3A_45] : memref<65536x1024xf32, #tpu.memory_space<hbm>> -> memref<72x1024xf32, #tpu.memory_space<hbm>>
      tpu.wait_dma2 semaphore(%run_scoped3A : memref<!tpu.dma_semaphore, #tpu.memory_space<semaphore_mem>>) src(%dma_wait3A_46 : memref<72x1024xf32, #tpu.memory_space<hbm>>) dst(%dma_wait3A_44 : memref<72x1024xf32, #tpu.memory_space<hbm>>)
      tpu.yield
    }) : () -> ()
    return
  }
}

module attributes {stable_mosaic.version = 14 : i64} {
  func.func @_k3_body(%arg0: memref<2304x1024xf32, #tpu.memory_space<vmem>>, %arg1: memref<16x1024xf32, #tpu.memory_space<vmem>>, %arg2: memref<16x1xf32, #tpu.memory_space<vmem>>, %arg3: memref<16x1xi32, #tpu.memory_space<vmem>>, %arg4: memref<16x1xi32, #tpu.memory_space<vmem>>, %arg5: memref<16x1xi32, #tpu.memory_space<vmem>>, %arg6: memref<1024x1024xf32, #tpu.memory_space<vmem>>, %arg7: memref<16x1024xf32, #tpu.memory_space<vmem>>) attributes {dimension_semantics = [], scalar_prefetch = 0 : i64, scratch_operands = 0 : i64, tpu.core_type = #tpu.core_type<tc>} {
    %get3A = arith.constant 0 : index
    %get3A_0 = arith.constant 0 : index
    %get3A_1 = vector.load %arg1[%get3A, %get3A_0] : memref<16x1024xf32, #tpu.memory_space<vmem>>, vector<16x1024xf32>
    %get3A_2 = arith.constant 0 : index
    %get3A_3 = arith.constant 0 : index
    %get3A_4 = vector.load %arg0[%get3A_2, %get3A_3] : memref<2304x1024xf32, #tpu.memory_space<vmem>>, vector<2304x1024xf32>
    %iota3A = tpu.iota {dimensions = array<i32: 1>} : vector<16x2304xi32>
    %iota3A_5 = tpu.iota {dimensions = array<i32: 0>} : vector<16x2304xi32>
    %mul3A = arith.constant 144 : i32
    %mul3A_6 = vector.broadcast %mul3A : i32 to vector<16x2304xi32>
    %mul3A_7 = arith.muli %iota3A_5, %mul3A_6 : vector<16x2304xi32>
    %sub3A = arith.subi %iota3A, %mul3A_7 : vector<16x2304xi32>
    %ge3A = arith.constant 0 : i32
    %ge3A_8 = vector.broadcast %ge3A : i32 to vector<16x2304xi32>
    %ge3A_9 = arith.cmpi sge, %sub3A, %ge3A_8 : vector<16x2304xi32>
    %lt3A = arith.constant 144 : i32
    %lt3A_10 = vector.broadcast %lt3A : i32 to vector<16x2304xi32>
    %lt3A_11 = arith.cmpi slt, %sub3A, %lt3A_10 : vector<16x2304xi32>
    %and3A = arith.andi %ge3A_9, %lt3A_11 : vector<16x2304xi1>
    %get3A_12 = arith.constant 0 : index
    %get3A_13 = arith.constant 0 : index
    %get3A_14 = vector.load %arg3[%get3A_12, %get3A_13] : memref<16x1xi32, #tpu.memory_space<vmem>>, vector<16x1xi32>
    %add3A = vector.broadcast %get3A_14 : vector<16x1xi32> to vector<16x2304xi32>
    %add3A_15 = arith.addi %add3A, %sub3A : vector<16x2304xi32>
    %get3A_16 = arith.constant 0 : index
    %get3A_17 = arith.constant 0 : index
    %get3A_18 = vector.load %arg4[%get3A_16, %get3A_17] : memref<16x1xi32, #tpu.memory_space<vmem>>, vector<16x1xi32>
    %ge3A_19 = vector.broadcast %get3A_18 : vector<16x1xi32> to vector<16x2304xi32>
    %ge3A_20 = arith.cmpi sge, %add3A_15, %ge3A_19 : vector<16x2304xi32>
    %and3A_21 = arith.andi %and3A, %ge3A_20 : vector<16x2304xi1>
    %get3A_22 = arith.constant 0 : index
    %get3A_23 = arith.constant 0 : index
    %get3A_24 = vector.load %arg5[%get3A_22, %get3A_23] : memref<16x1xi32, #tpu.memory_space<vmem>>, vector<16x1xi32>
    %lt3A_25 = vector.broadcast %get3A_24 : vector<16x1xi32> to vector<16x2304xi32>
    %lt3A_26 = arith.cmpi slt, %add3A_15, %lt3A_25 : vector<16x2304xi32>
    %and3A_27 = arith.andi %and3A_21, %lt3A_26 : vector<16x2304xi1>
    %jit3A = arith.constant 0.000000e+00 : f32
    %jit3A_28 = arith.constant -1.000000e+30 : f32
    %broadcast_in_dim3A = vector.broadcast %jit3A : f32 to vector<16x2304xf32>
    %broadcast_in_dim3A_29 = vector.broadcast %jit3A_28 : f32 to vector<16x2304xf32>
    %select_n3A = arith.select %and3A_27, %broadcast_in_dim3A, %broadcast_in_dim3A_29 : vector<16x2304xi1>, vector<16x2304xf32>
    %get3A_30 = arith.constant 0 : index
    %get3A_31 = arith.constant 0 : index
    %get3A_32 = vector.load %arg2[%get3A_30, %get3A_31] : memref<16x1xf32, #tpu.memory_space<vmem>>, vector<16x1xf32>
    %convert_element_type3A = arith.sitofp %add3A_15 : vector<16x2304xi32> to vector<16x2304xf32>
    %sub3A_33 = vector.broadcast %get3A_32 : vector<16x1xf32> to vector<16x2304xf32>
    %sub3A_34 = arith.subf %convert_element_type3A, %sub3A_33 : vector<16x2304xf32>
    %integer_pow3A = arith.mulf %sub3A_34, %sub3A_34 : vector<16x2304xf32>
    %neg3A = arith.constant 0.000000e+00 : f32
    %neg3A_35 = vector.broadcast %neg3A : f32 to vector<16x2304xf32>
    %neg3A_36 = arith.subf %neg3A_35, %integer_pow3A : vector<16x2304xf32>
    %div3A = arith.constant 2.048000e+03 : f32
    %div3A_37 = vector.broadcast %div3A : f32 to vector<16x2304xf32>
    %div3A_38 = arith.divf %neg3A_36, %div3A_37 : vector<16x2304xf32>
    %exp3A = math.exp %div3A_38 : vector<16x2304xf32>
    %convert_element_type3A_39 = arith.extui %and3A_27 : vector<16x2304xi1> to vector<16x2304xi32>
    %convert_element_type3A_40 = arith.sitofp %convert_element_type3A_39 : vector<16x2304xi32> to vector<16x2304xf32>
    %mul3A_41 = arith.mulf %exp3A, %convert_element_type3A_40 : vector<16x2304xf32>
    %dot_general3A = arith.constant dense<0.000000e+00> : vector<16x2304xf32>
    %dot_general3A_42 = tpu.matmul %get3A_1, %get3A_4, %dot_general3A {dimension_numbers = #tpu.dot_dimension_numbers<[1], [1], [0], [0], [0, 0, 1, 0], [], []>, transpose_lhs_hint = false} : vector<16x1024xf32>, vector<2304x1024xf32>, vector<16x2304xf32> -> vector<16x2304xf32>
    %add3A_43 = arith.addf %dot_general3A_42, %select_n3A : vector<16x2304xf32>
    %reduce_max3A = arith.constant dense<0xFF800000> : vector<16xf32>
    %reduce_max3A_44 = vector.multi_reduction <maximumf>, %add3A_43, %reduce_max3A [1] : vector<16x2304xf32> to vector<16xf32>
    %broadcast_in_dim3A_45 = vector.shape_cast %reduce_max3A_44 : vector<16xf32> to vector<16x1xf32>
    %sub3A_46 = vector.broadcast %broadcast_in_dim3A_45 : vector<16x1xf32> to vector<16x2304xf32>
    %sub3A_47 = arith.subf %add3A_43, %sub3A_46 : vector<16x2304xf32>
    %exp3A_48 = math.exp %sub3A_47 : vector<16x2304xf32>
    %reduce_sum3A = arith.constant dense<0.000000e+00> : vector<16xf32>
    %reduce_sum3A_49 = vector.multi_reduction <add>, %exp3A_48, %reduce_sum3A [1] : vector<16x2304xf32> to vector<16xf32>
    %broadcast_in_dim3A_50 = vector.shape_cast %reduce_sum3A_49 : vector<16xf32> to vector<16x1xf32>
    %div3A_51 = vector.broadcast %broadcast_in_dim3A_50 : vector<16x1xf32> to vector<16x2304xf32>
    %div3A_52 = arith.divf %exp3A_48, %div3A_51 : vector<16x2304xf32>
    %mul3A_53 = arith.mulf %div3A_52, %mul3A_41 : vector<16x2304xf32>
    %dot_general3A_54 = arith.constant dense<0.000000e+00> : vector<16x1024xf32>
    %dot_general3A_55 = tpu.matmul %mul3A_53, %get3A_4, %dot_general3A_54 {dimension_numbers = #tpu.dot_dimension_numbers<[1], [0], [0], [1], [0, 0, 1, 1], [], []>, transpose_lhs_hint = false} : vector<16x2304xf32>, vector<2304x1024xf32>, vector<16x1024xf32> -> vector<16x1024xf32>
    %get3A_56 = arith.constant 0 : index
    %get3A_57 = arith.constant 0 : index
    %get3A_58 = vector.load %arg6[%get3A_56, %get3A_57] : memref<1024x1024xf32, #tpu.memory_space<vmem>>, vector<1024x1024xf32>
    %dot_general3A_59 = arith.constant dense<0.000000e+00> : vector<16x1024xf32>
    %dot_general3A_60 = tpu.matmul %dot_general3A_55, %get3A_58, %dot_general3A_59 {dimension_numbers = #tpu.dot_dimension_numbers<[1], [0], [0], [1], [0, 0, 1, 1], [], []>, transpose_lhs_hint = false} : vector<16x1024xf32>, vector<1024x1024xf32>, vector<16x1024xf32> -> vector<16x1024xf32>
    %swap3A = arith.constant 0 : index
    %swap3A_61 = arith.constant 0 : index
    %swap3A_62 = vector.load %arg7[%swap3A, %swap3A_61] : memref<16x1024xf32, #tpu.memory_space<vmem>>, vector<16x1024xf32>
    tpu.vector_store %arg7[%swap3A, %swap3A_61], %dot_general3A_60 {strides = array<i32>} : memref<16x1024xf32, #tpu.memory_space<vmem>>, vector<16x1024xf32>,
    return
  }
}

</mosaic_0001>

<sc_bundles>
// kernel: kernel.4.cloned.1.call-start
scs
__scs_entry_jumppad:
0x0: {  	(pc) =	sbr.rel $0x88, $3  }
0x1: {  	(tag) =	ssettag $0x0;
	lr =	simm.s32 $0x1  }
0x2: {  	[smem:$0x3F9B] =	sst lr;
	_ =	strace $0xD0000000  }
0x3: {  	_ = 	snop  }
0x4: {  	_ = 	snop  }
0x5: {  	_ = 	snop  }
0x6: {  	_ = 	snop  }
0x7: {  	_ = 	snop  }
__scs_overlays_trampoline_lowered:
0x8: {  	[smem:$0x3FAA] =	sst s0  }
0x9: {  	[smem:$0x3FAB] =	sst s1  }
0xa: {  	[smem:$0x3FAC] =	sst s2  }
0xb: {  	[smem:$0x3FAD] =	sst s3  }
0xc: {  	[smem:$0x3FAE] =	sst s4  }
0xd: {  	[smem:$0x3FAF] =	sst s5  }
0xe: {  	[smem:$0x3FB0] =	sst s6  }
0xf: {  	[smem:$0x3FB1] =	sst s7  }
0x10: {  	[smem:$0x3FB2] =	sst s8  }
0x11: {  	[smem:$0x3FB3] =	sst s9;
	s0 =	simm.s32 @!p0 $0x0  }
0x12: {  	s1 =	sld [smem:$0x3F99];
	s0 =	simm.s32 @p0 $0x1  }
0x13: {  	[smem:$0x3FB4] =	sst s0;
	s0 =	simm.s32 @!p1 $0x0  }
0x14: {  	s2 =	sld [smem:$0x3F98];
	s0 =	simm.s32 @p1 $0x1  }
0x15: {  	[smem:$0x3FB5] =	sst s0;
	s0 =	simm.s32 @!p2 $0x0  }
0x16: {  	s3 =	sld [smem:$0x3FDB];
	s0 =	simm.s32 @p2 $0x1  }
0x17: {  	s4 =	simm.s32 $0x1BF5;
	[smem:$0x3FB7] =	sst s0  }
0x18: {  	s0 =	sld [smem:$0x3F9A];
	_ =	swait.ge [sflag:s4], $0x0  }
0x19: {  	s7 =	sld [smem:$0x3F9B]  }
0x1a: {  	s8 =	sadd.s32 $0xFFFFE003, lr  }
0x1b: {  	s9 =	sadd.s32 $0xFFFFFEF7, lr;
	s5 =	simm.s32 $0xFFFFFFFF;
	p2 =	slt.u32 s8, $0xFFFFF086  }
0x1c: {  	p1 =	slt.u32 s9, $0xF7A;
	s5 =	simm.s32 @!p2 $0x0  }
0x1d: {  	s5 =	simm.s32 @p1 $0x1;
	p0 =	seq.s32 s7, s2  }
0x1e: {  	s7 =	smul.u32 @!p0 $0xF7A, s2;
	p2 =	seq.s32 @!p0 s5, $0x0  }
0x1f: {  	s9 =	smul.u32 $0xF7A, s1;
	s8 =	simm.s32 @!p0 $0x1BF5;
	p2 =	por !p2, p0  }
0x20: {  	[sflag:s8] =	ssyncset.s32 @!p0 $0xFFFFF086;
	s6 =	sadd.s32 @!p0 s3, s7;
	s7 =	simm.s32 @!p0 $0x108  }
0x21: {  	s3 =	sadd.s32 s3, s9;
	s6 =	sadd.s32 @!p0 $0x88, s6;
	s7 =	simm.s32 @p2 $0x1082  }
0x22: {  	[simem:s7], [sflag:s8] =	dma.local @!p0 [hbm:s6], $0xF7A  }
0x23: {  	s9 =	sor.u32 $0xD0000000, s2;
	s6 =	simm.s32 $0x108;
	_ =	swait.ge @!p0 [sflag:s8], $0x0  }
0x24: {  	s3 =	sadd.s32 $0x88, s3;
	s6 =	simm.s32 @!p1 $0x1082;
	[sflag:s4] =	ssyncset.s32 $0xFFFFF086  }
0x25: {  	[simem:s6], [sflag:s4] =	dma.local [hbm:s3], $0xF7A  }
0x26: {  	[smem:$0x3F9B] =	sst s1;
	(tag) =	ssettag s2;
	_ =	strace s9  }
0x27: {  	s1 =	sld [smem:$0x3FAB]  }
0x28: {  	s2 =	sld [smem:$0x3FAC]  }
0x29: {  	s4 =	sld [smem:$0x3FAE]  }
0x2a: {  	p0 =	seq.s32 s5, $0x0;
	s5 =	sld [smem:$0x3FAF]  }
0x2b: {  	s6 =	sld [smem:$0x3FB0]  }
0x2c: {  	s7 =	sld [smem:$0x3FB1]  }
0x2d: {  	s3 =	simm.s32 $0x108;
	s8 =	sld [smem:$0x3FB2]  }
0x2e: {  	s3 =	simm.s32 @!p0 $0x1082;
	s9 =	sld [smem:$0x3FB3]  }
0x2f: {  	lr =	sadd.s32 s0, s3;
	s0 =	sld [smem:$0x3FAA]  }
0x30: {  	s3 =	sld [smem:$0x3FAD]  }
0x31: {  	[smem:$0x3FB6] =	sst s10  }
0x32: {  	s10 =	sld [smem:$0x3FB4];
	_ =	sdelay $0x3  }
0x33: {  	p0 =	seq.s32 s10, $0x1;
	s10 =	sld [smem:$0x3FB6];
	_ =	sdelay $0x3  }
0x34: {  	[smem:$0x3FB6] =	sst s10  }
0x35: {  	s10 =	sld [smem:$0x3FB5];
	_ =	sdelay $0x3  }
0x36: {  	p1 =	seq.s32 s10, $0x1;
	s10 =	sld [smem:$0x3FB6];
	_ =	sdelay $0x3  }
0x37: {  	[smem:$0x3FB6] =	sst s10  }
0x38: {  	s10 =	sld [smem:$0x3FB7]  }
0x39: {  	_ = 	snop;
	(pc) =	sbr.ind lr, $3  }
0x3a: {  	_ = 	snop  }
0x3b: {  	_ = 	snop  }
0x3c: {  	p2 =	seq.s32 s10, $0x1;
	s10 =	sld [smem:$0x3FB6]  }
0x3d: {  	_ =	shalt  }
0x3e: {  	_ =	shalt  }
0x3f: {  	_ =	shalt  }
0x40: {  	_ =	shalt  }
0x41: {  	_ =	shalt  }
0x42: {  	_ =	shalt  }
0x43: {  	_ =	shalt  }
0x44: {  	_ =	shalt  }
0x45: {  	_ =	shalt  }
0x46: {  	_ =	shalt  }
0x47: {  	_ =	shalt  }
0x48: {  	_ =	shalt  }
0x49: {  	_ =	shalt  }
0x4a: {  	_ =	shalt  }
0x4b: {  	_ =	shalt  }
0x4c: {  	_ =	shalt  }
0x4d: {  	_ =	shalt  }
0x4e: {  	_ =	shalt  }
0x4f: {  	_ =	shalt  }
0x50: {  	_ =	shalt  }
0x51: {  	_ =	shalt  }
0x52: {  	_ =	shalt  }
0x53: {  	_ =	shalt  }
0x54: {  	_ =	shalt  }
0x55: {  	_ =	shalt  }
0x56: {  	_ =	shalt  }
0x57: {  	_ =	shalt  }
0x58: {  	_ =	shalt  }
0x59: {  	_ =	shalt  }
0x5a: {  	_ =	shalt  }
0x5b: {  	_ =	shalt  }
0x5c: {  	_ =	shalt  }
0x5d: {  	_ =	shalt  }
0x5e: {  	_ =	shalt  }
0x5f: {  	_ =	shalt  }
0x60: {  	_ =	shalt  }
0x61: {  	_ =	shalt  }
0x62: {  	_ =	shalt  }
0x63: {  	_ =	shalt  }
0x64: {  	_ =	shalt  }
0x65: {  	_ =	shalt  }
0x66: {  	_ =	shalt  }
0x67: {  	_ =	shalt  }
0x68: {  	_ =	shalt  }
0x69: {  	_ =	shalt  }
0x6a: {  	_ =	shalt  }
0x6b: {  	_ =	shalt  }
0x6c: {  	_ =	shalt  }
0x6d: {  	_ =	shalt  }
0x6e: {  	_ =	shalt  }
0x6f: {  	_ =	shalt  }
0x70: {  	_ =	shalt  }
0x71: {  	_ =	shalt  }
0x72: {  	_ =	shalt  }
0x73: {  	_ =	shalt  }
0x74: {  	_ =	shalt  }
0x75: {  	_ =	shalt  }
0x76: {  	_ =	shalt  }
0x77: {  	_ =	shalt  }
0x78: {  	_ =	shalt  }
0x79: {  	_ =	shalt  }
0x7a: {  	_ =	shalt  }
0x7b: {  	_ =	shalt  }
0x7c: {  	_ =	shalt  }
0x7d: {  	_ =	shalt  }
0x7e: {  	_ =	shalt  }
0x7f: {  	_ =	shalt  }
0x80: {  	_ =	shalt  }
0x81: {  	_ =	shalt  }
0x82: {  	_ =	shalt  }
0x83: {  	_ =	shalt  }
0x84: {  	_ =	shalt  }
0x85: {  	_ =	shalt  }
0x86: {  	_ =	shalt  }
0x87: {  	_ =	shalt  }
.Lfunc_end0:
.L_simem_size_0:
called_computation_lowered:
.L_overlay_start_0:
0x88: {  	s2 =	sld [smem:$0x3FD9]  }
0x89: {  	s3 =	sld [smem:$0x3FFE];
	_ =	sdelay $0x1  }
0x8a: {  	s1 =	srdreg.scid  }
0x8b: {  	s0 =	sand.u32 $0x1, s1  }
0x8c: {  	s17 =	sshll.u32 s0, $0xA;
	s2 =	sadd.s32 s3, s2  }
0x8d: {  	s2 =	sadd.s32 s2, s17  }
0x8e: {  	[smem:$0x3FC2] =	sst s2  }
0x8f: {  	_ = 	snop  }
0x90: {  	s2 =	sld [smem:$0x3FC9];
	(tm) =	ssettm $0x1  }
0x91: {  	s18 =	sld [smem:$0x3FFB];
	_ =	sdelay $0x3  }
0x92: {  	_ =	strace s18  }
0x93: {  	s3 =	sld [smem:$0x3FFC];
	_ =	sdelay $0x3  }
0x94: {  	_ =	strace s3  }
0x95: {  	s3 =	sld [smem:$0x3FFD];
	_ =	sdelay $0x3  }
0x96: {  	_ =	strace s3  }
0x97: {  	_ =	strace $0x8FFFFFFF  }
0x98: {  	s19 =	sld [smem:$0x3FDB];
	_ =	sdelay $0x1  }
0x99: {  	s4 =	simm.s32 $_scs_section_size  }
0x9a: {  	s5 =	simm.s32 $_size__tile_overlayer_lowered;
	s6 =	simm.s32 $_tile_overlayer_lowered  }
0x9b: {  	s22 =	simm.s32 $0x1BFF;
	s21 =	sshll.u32 s6, $0x1;
	s3 =	sadd.s32 s4, s19  }
0x9c: {  	s7 =	simm.s32 $0x0;
	s20 =	sshll.u32 s5, $0x1;
	s5 =	sadd.s32 s21, s3  }
0x9d: {  	[timem:s7], [sflag:s22] =	dma.local [hbm:s5], s20  }
0x9e: {  	_ =	swait.ge [sflag:s22], s20  }
0x9f: {  	s4 =	ssub.s32 $0x0, s20;
	[sflag:s22] =	ssyncset.done $0x0  }
0xa0: {  	[sflag:s22] =	ssyncadd.s32 s4;
	_ =	sdelay $0x1  }
0xa1: {  	s23 =	simm.s32 $0x1B8B  }
0xa2: {  	_ =	swait.ge [sflag:s23], $0x1  }
0xa3: {  	[sflag:s23] =	ssyncset.done $0x0  }
0xa4: {  	s25 =	simm.s32 $0x1B8E;
	s24 =	sld [smem:$0x3FFE];
	[sflag:s23] =	ssyncadd.s32 $0xFFFFFFFF  }
0xa5: {  	s26 =	simm.s32 $execute0_lowered;
	[smem:$0x3FD2] =	sst s25  }
0xa6: {  	s5 =	sshll.u32 s26, $0x1;
	_ =	strace $0x80000046;
	[dreg:$0x1] =	wrdreg $0xFFFFFFFF  }
0xa7: {  	s28 =	simm.s32 $_size_execute0_lowered;
	s3 =	sadd.s32 s3, s5;
	[dreg:$0x0] =	wrdreg $0x0  }
0xa8: {  	s5 =	sshll.u32 s28, $0x1;
	[dreg:$0x2] =	wrdreg s3  }
0xa9: {  	[dreg:$0x3] =	wrdreg s5  }
0xaa: {  	[dreg:$0x4] =	wrdreg $0xC0  }
0xab: {  	_ =	task [dreg:s7], $0x5FFFF  }
0xac: {  	[dreg:$0x1] =	wrdreg $0xFFFFFFFF  }
0xad: {  	[dreg:$0x0] =	wrdreg $0x60  }
0xae: {  	[dreg:$0x2] =	wrdreg s2  }
0xaf: {  	[dreg:$0x3] =	wrdreg s24  }
0xb0: {  	[dreg:$0x4] =	wrdreg $0x9  }
0xb1: {  	_ =	task.clear_ibuf [dreg:s7], $0x5FFFF;
	_ =	strace $0x90000046  }
0xb2: {  	s29 =	simm.s32 $0x9;
	_ =	strace $0x80000048  }
0xb3: {  	_ =	swait.ge [sflag:s29], $0x1  }
0xb4: {  	[sflag:s29] =	ssyncadd.s32 $0xFFFFFFFF  }
0xb5: {  	_ =	strace $0x90000048  }
0xb6: {  	_ =	sfence  }
0xb7: {  	s30 =	sld [smem:$0x0];
	_ =	sdelay $0x2  }
0xb8: {  	s31 =	sshll.u32 s1, $0xD;
	s1 =	sshrl.u32 s1, $0x2  }
0xb9: {  	s3 =	sand.u32 $0x4000, s31;
	s1 =	sadd.s32 s1, s30  }
0xba: {  	s0 =	sor.u32 s3, s0;
	s1 =	sshll.u32 s1, $0x11  }
0xbb: {  	s0 =	sor.u32 s1, s0  }
0xbc: {  	s0 =	sadd.s32 $0x8F2B, s0  }
0xbd: {  	[sflag:s0] =	ssyncadd.remote.s32 $0x1  }
0xbe: {  	_ =	sfence.sel $0xFFFF  }
0xbf: {  	[dreg:$0x0] =	wrdreg $0xFFFFFFFF;
	(pc) =	sbr.abs _section_cstart, $3  }
0xc0: {  	[dreg:$0x1] =	wrdreg $0xFFFFFFFF  }
0xc1: {  	_ =	task.clear_ibuf [dreg:s7], $0x2FFFF;
	_ =	strace $0x9FFFFFFF  }
0xc2: {  	(tm) =	ssettm $0x7FFFFFFF  }
0xc3: {  	_ =	shalt  }
tec
execute0_lowered:
.L_overlay_start_1:
0x0: {  	(tag) =	ssettag $0x1  }
0x1: {  	s1 =	srdreg.scid;
	s0 =	stileid.u32  }
0x2: {  	s7 =	sand.u32 $0x1, s1;
	s29 =	sshll.u32 s0, $0x1  }
0x3: {  	s6 =	sor.u32 s7, s29  }
0x4: {  	p0 =	seq.s32 s7, $0x1;
	p1 =	seq.s32 s6, $0x0  }
0x5: {  	p1 =	por !p1, !p0  }
0x6: {  	s1 =	simm.s32 $0x1;
	p1 =	por !p1, !p1  }
0x7: {  	s2 =	rddreg [dreg:$0x0];
	s1 =	simm.s32 @!p1 $0x0  }
0x8: {  	s8 =	rddreg [dreg:$0x1];
	s3 =	simm.s32 $0x0;
	s4 =	ssub.s32 s0, s1  }
0x9: {  	[smem:$0x7FF] =	sst s3;
	s4 =	sand.u32 $0x1FFFFFFF, s4  }
0xa: {  	s1 =	rddreg [dreg:$0x2];
	s5 =	sadd.s32 s4, s8  }
0xb: {  	_ =	strace $0x80000047;
	s4 =	simm.s32 $0x1;
	s5 =	sadd.s32 $0x2000, s5  }
0xc: {  	[tilespmem:s3], [sflag:$0x1] =	stream.linear.gather [hbm4b:s5+s3], $0x8, $0x38;
	[tilespmem:$0x80] =	vst v63  }
0xd: {  	_ =	swait.ge [sflag:s4], $0x8  }
0xe: {  	[sflag:s4] =	ssyncset.done $0x0  }
0xf: {  	[sflag:s4] =	ssyncadd.s32 $0xFFFFFFF8  }
0x10: {  	v0 =	vld.msk [tilespmem:$0x0], $0x1;
	_ =	sdelay $0x4  }
0x11: {  	(v2sf) =	vpush v0, $0x0;
	_ =	sdelay $0xc  }
0x12: {  	s7 =	ssub.s32 $0x2, s7  }
0x13: {  	s9 =	smul.u32 $0x2400, s6;
	s6 =	simm.s32 $0x48;
	s11 =	sshrl.u32 s7, $0x1  }
0x14: {  	s6 =	simm.s32 @!p0 $0x0;
	s30 =	ssub.s32 s7, s11;
	s10 =	spop (v2sf)  }
0x15: {  	s8 =	sadd.s32 s9, s8;
	s9 =	smax.u32 s30, $0x1;
	s10 =	sadd.s32 s6, s10  }
0x16: {  	p0 =	sne.s32 s9, $0x1;
	s10 =	sshll.u32 s10, $0x7  }
.Ltmp0:
0x17: {  	s31 =	sshll.u32 s0, $0x6;
	s10 =	sand.u32 $0xFFFFC00, s10;
	(pc) =	sbr.rel @!p0 .LBB2_2-.Ltmp0, $4  }
0x18: {  	s7 =	sadd.s32 $0x2200, s8;
	s8 =	sor.u32 $0x1C01, s31;
	s10 =	sadd.s32 s2, s10  }
0x19: {  	[hbm:s7], [sflag:s8] =	dma.local [hbm:s10], $0x2400  }
0x1a: {  	_ =	swait.ge [sflag:s4], $0x2400  }
0x1b: {  	s9 =	sadd.s32 $0xFFFFFFFF, s9;
	[sflag:s4] =	ssyncset.done $0x0  }
.LBB2_1:
0x1c: {  	p0 =	sne.s32 s9, $0x1;
	s9 =	sadd.s32 $0xFFFFFFFF, s9;
	[sflag:s4] =	ssyncadd.s32 $0xFFFFDC00  }
0x1d: {  	[tilespmem:s3], [sflag:$0x1] =	stream.linear.gather [hbm4b:s5+s3], $0x8, $0x38;
	[tilespmem:$0x80] =	vst v63  }
0x1e: {  	_ =	swait.ge [sflag:s4], $0x8  }
0x1f: {  	[sflag:s4] =	ssyncset.done $0x0  }
0x20: {  	[sflag:s4] =	ssyncadd.s32 $0xFFFFFFF8  }
0x21: {  	v0 =	vld.msk [tilespmem:$0x0], $0x1;
	_ =	sdelay $0x4  }
0x22: {  	(v2sf) =	vpush v0, $0x0;
	_ =	sdelay $0xe  }
0x23: {  	s10 =	spop (v2sf)  }
0x24: {  	s10 =	sadd.s32 s6, s10  }
0x25: {  	s10 =	sshll.u32 s10, $0x7  }
.Ltmp1:
0x26: {  	s10 =	sand.u32 $0xFFFFC00, s10;
	(pc) =	sbr.rel @p0 .LBB2_1-.Ltmp1, $4  }
0x27: {  	s10 =	sadd.s32 s2, s10  }
0x28: {  	[hbm:s7], [sflag:s8] =	dma.local [hbm:s10], $0x2400  }
0x29: {  	_ =	swait.ge [sflag:s4], $0x2400  }
0x2a: {  	[sflag:s4] =	ssyncset.done $0x0  }
.LBB2_2:
0x2b: {  	[sflag:s4] =	ssyncadd.s32 $0xFFFFDC00  }
0x2c: {  	_ =	sfence.sel $0x180000  }
0x2d: {  	[bflag:$0x0] =	sbarrier.arrive $0xFFFF  }
0x2e: {  	p0 =	sne.s32 s0, $0x0;
	_ =	strace $0x90000047  }
0x2f: {  	s0 =	sadd.s32 @!p0 $0x100000, s1;
	[bflag:$0x2] =	sbarrier.arrive $0xFFFF  }
0x30: {  	[sflag:s0] =	ssyncadd.tile.s32 @!p0 $0x1;
	_ =	shalt  }
.Lfunc_end2:
_tile_overlayer_lowered:
.L_overlay_start_2:
0x31: {  	(tag) =	ssettag $0x2  }
0x32: {  	s0 =	rddreg [dreg:$0x0];
	s2 =	stileid.u32  }
0x33: {  	s1 =	rddreg [dreg:$0x1];
	p0 =	sne.s32 s2, $0x0  }
0x34: {  	s3 =	rddreg [dreg:$0x2];
	[bflag:$0x3] =	sbarrier.arrive $0xFFFF;
	s2 =	simm.s32 @!p0 $0x1C01  }
0x35: {  	[timem:s3], [sflag:s2] =	dma.local @!p0 [hbm:s0], s1  }
0x36: {  	s0 =	simm.s32 @!p0 $0x1  }
0x37: {  	_ =	swait.ge @!p0 [sflag:s0], s1  }
0x38: {  	s1 =	ssub.s32 @!p0 $0x0, s1;
	[sflag:s0] =	ssyncset.done @!p0 $0x0  }
0x39: {  	[sflag:s0] =	ssyncadd.s32 @!p0 s1  }
0x3a: {  	[bflag:$0x3] =	sbarrier.arrive $0xFFFF  }
0x3b: {  	_ =	shalt  }

</sc_bundles>
